<compile_context>
chip_gen: v7x
topology: tpu7x:2x2x1
jax: 0.10.2.dev20260603
libtpu: 0.0.44.dev20260713+nightly
codegen_flags: <defaults>
</compile_context>

<pallas_src>
import functools

import jax
import jax.numpy as jnp
import numpy as np
from jax import lax
from jax.experimental import pallas as pl
from jax.experimental.pallas import tpu as pltpu
from jax.experimental.pallas import tpu_sc as plsc

N_GRAPHS = 256
M_VALS = 32
N_GEN = 16
C_MIX = 8
CU = N_GEN * (N_GEN - 1) // 2

_NC = 2
_NS = 16
_NW = _NC * _NS
_L = 16

_HROWS = N_GRAPHS + 1


def _cm_np():
    cm = np.zeros((N_GEN, CU), dtype=np.float32)
    p, s = 0, 1
    for i in range(CU):
        cm[p, i] = 1.0
        cm[s, i] = -1.0
        if s == N_GEN - 1:
            p = p + 1
            s = p
        s = s + 1
    return cm


_CM = _cm_np()


def _make_hist_kernel(n16):
    q = n16 // _L
    v_lo = q // _NW
    rem = q % _NW
    hi_sz = (v_lo + 1) * _L
    lo_sz = v_lo * _L
    mesh = plsc.VectorSubcoreMesh(core_axis_name="c", subcore_axis_name="s")

    @functools.partial(
        pl.kernel,
        out_type=jax.ShapeDtypeStruct((_NW, _HROWS, M_VALS), jnp.int32),
        mesh=mesh,
        scratch_types=[
            pltpu.VMEM((max(hi_sz, _L),), jnp.int32),
            pltpu.VMEM((max(hi_sz, _L),), jnp.int32),
            pltpu.VMEM((_HROWS, M_VALS), jnp.int32),
        ],
        compiler_params=pltpu.CompilerParams(needs_layout_passes=False),
    )
    def hist_kernel(x_hbm, b_hbm, out_hbm, x_v, b_v, hist_v):
        wid = lax.axis_index("s") * _NC + lax.axis_index("c")

        zeros = jnp.zeros((_L,), jnp.int32)

        def zero_body(i, _):
            hist_v[i, pl.ds(0, _L)] = zeros
            hist_v[i, pl.ds(_L, _L)] = zeros
            return 0

        lax.fori_loop(0, _HROWS, zero_body, 0)

        ones = jnp.ones((_L,), jnp.int32)

        def accumulate(n_vec):
            def body(j, _):
                xk = x_v[pl.ds(j * _L, _L)]
                bk = b_v[pl.ds(j * _L, _L)]
                plsc.addupdate_scatter(hist_v, [bk, xk], ones)
                return 0

            lax.fori_loop(0, n_vec, body, 0)

        if rem:
            @pl.when(wid < rem)
            def _():
                base = wid * hi_sz
                pltpu.sync_copy(x_hbm.at[pl.ds(base, hi_sz)],
                                x_v.at[pl.ds(0, hi_sz)])
                pltpu.sync_copy(b_hbm.at[pl.ds(base, hi_sz)],
                                b_v.at[pl.ds(0, hi_sz)])
                accumulate(v_lo + 1)

        if lo_sz:
            @pl.when(wid >= rem)
            def _():
                base = rem * hi_sz + (wid - rem) * lo_sz
                pltpu.sync_copy(x_hbm.at[pl.ds(base, lo_sz)],
                                x_v.at[pl.ds(0, lo_sz)])
                pltpu.sync_copy(b_hbm.at[pl.ds(base, lo_sz)],
                                b_v.at[pl.ds(0, lo_sz)])
                accumulate(v_lo)

        pltpu.sync_copy(hist_v, out_hbm.at[wid])

    return hist_kernel


def _dense_body(counts_ref, lp_ref, le_ref, cm_ref, w_ref, b_ref, out_ref):
    lp_raw = lp_ref[...]
    lp_max = jnp.max(lp_raw, axis=-1, keepdims=True)
    lp = lp_raw - (
        lp_max
        + jnp.log(jnp.sum(jnp.exp(lp_raw - lp_max), axis=-1, keepdims=True))
    )

    le_raw = le_ref[...]
    le_max = jnp.max(le_raw, axis=-1, keepdims=True)
    le_lse = le_max + jnp.log(
        jnp.sum(jnp.exp(le_raw - le_max), axis=-1, keepdims=True)
    )
    terms = []
    for c in range(C_MIX):
        t = lp[:, c][:, None] + (le_raw[:, c, :] - le_lse[:, c, :])
        terms.append(t)
    mx = terms[0]
    for c in range(1, C_MIX):
        mx = jnp.maximum(mx, terms[c])
    ssum = jnp.exp(terms[0] - mx)
    for c in range(1, C_MIX):
        ssum = ssum + jnp.exp(terms[c] - mx)
    ll = mx + jnp.log(ssum)

    cnt = counts_ref[0, :N_GRAPHS, :]
    for w in range(1, _NW):
        cnt = cnt + counts_ref[w, :N_GRAPHS, :]
    cnt = cnt.astype(jnp.float32)

    pooled = jnp.sum(cnt[:, None, :] * ll[None, :, :], axis=-1)

    cu = jnp.tanh(
        jax.lax.dot(pooled, cm_ref[...], preferred_element_type=jnp.float32)
    )
    out = jax.lax.dot(cu, w_ref[...], preferred_element_type=jnp.float32)
    out_ref[...] = out + b_ref[...]


def kernel(x, edge_index, batch, prior_logits, emission_logits, W, b):
    del edge_index
    n = x.shape[0]
    x = x.astype(jnp.int32)
    batch = batch.astype(jnp.int32)

    n16 = ((n + _L - 1) // _L) * _L
    if n16 != n:
        pad = n16 - n
        x = jnp.concatenate([x, jnp.zeros((pad,), jnp.int32)])
        batch = jnp.concatenate([batch, jnp.full((pad,), N_GRAPHS, jnp.int32)])

    counts = _make_hist_kernel(n16)(x, batch)

    out = pl.pallas_call(
        _dense_body,
        out_shape=jax.ShapeDtypeStruct((N_GRAPHS, 10), jnp.float32),
    )(
        counts,
        prior_logits,
        emission_logits,
        jnp.asarray(_CM),
        W,
        b.reshape(1, 10),
    )
    return out

# --- scband reference (transcript-rebuilt; emitter-appended) ---
"""Pipeline reference for scband-cgmn-82497731822087 (READ-ONLY COPY).

The authoritative reference and input builder live on the scoring server;
editing this copy changes nothing except your own understanding.
"""

import jax, jax.numpy as jnp
import numpy as np

N_NODES = 100000
N_EDGES = 3200000
N_GRAPHS = 256
N_GEN = 16
C = 8
M = 32
OUT_FEATURES = 10


def _contrastive_matrix(n_gen):
    contrastive_units = n_gen * (n_gen - 1) // 2
    cm = np.zeros((n_gen, contrastive_units), dtype=np.float32)
    p = 0
    s = 1
    for i in range(contrastive_units):
        cm[p, i] = 1.0
        cm[s, i] = -1.0
        if s == n_gen - 1:
            p = p + 1
            s = p
        s = s + 1
    return jnp.asarray(cm)


def setup_inputs(seed: int = 0) -> dict:
    key = jax.random.key(seed)
    k1, k2, k3, k4, k5, k6 = jax.random.split(key, 6)
    x = jax.random.randint(k1, (N_NODES,), 0, M, dtype=jnp.int64) if jax.config.jax_enable_x64 else jax.random.randint(k1, (N_NODES,), 0, M, dtype=jnp.int32)
    edge_index = jax.random.randint(k2, (2, N_EDGES), 0, N_NODES, dtype=jnp.int32)
    batch = jnp.sort(jax.random.randint(k3, (N_NODES,), 0, N_GRAPHS, dtype=jnp.int32))
    prior_logits = jax.random.normal(k4, (N_GEN, C), dtype=jnp.float32)
    emission_logits = jax.random.normal(k5, (N_GEN, C, M), dtype=jnp.float32)
    node_features = N_GEN * (N_GEN - 1) // 2
    W = jax.random.normal(k6, (node_features, OUT_FEATURES), dtype=jnp.float32) * 0.05
    b = jnp.zeros((OUT_FEATURES,), dtype=jnp.float32)
    return {"x": x, "edge_index": edge_index, "batch": batch, "prior_logits": prior_logits, "emission_logits": emission_logits, "W": W, "b": b}


def reference(x, edge_index, batch, prior_logits, emission_logits, W, b):
    # CGMM layer-0: per-node log-likelihood under a categorical mixture
    # for each of the n_gen generative models (base layer of CGMM uses
    # no structural context; edge_index is consumed only by stacked layers).
    contrastive = _contrastive_matrix(N_GEN)
    log_prior = jax.nn.log_softmax(prior_logits, axis=-1)            # [G, C]
    log_emission = jax.nn.log_softmax(emission_logits, axis=-1)      # [G, C, M]
    em_x = jnp.take(log_emission, x, axis=2)                          # [G, C, N]
    em_x = jnp.transpose(em_x, (2, 0, 1))                             # [N, G, C]
    log_likelihood = jax.nn.logsumexp(log_prior[None, :, :] + em_x, axis=-1)  # [N, G]
    log_likelihood = log_likelihood[:, None, :]                       # [N, 1, G] (layers dim)
    # scatter(log_likelihood, batch, dim=0): sum-pool per graph
    pooled = jax.ops.segment_sum(log_likelihood, batch, num_segments=N_GRAPHS)  # [B, 1, G]
    c_neurons = jnp.tanh(pooled @ contrastive)                        # [B, 1, CU]
    c_neurons = jax.lax.stop_gradient(c_neurons)                      # .detach()
    c_neurons = c_neurons.reshape(c_neurons.shape[0], -1)             # flatten(start_dim=-2)
    output = c_neurons @ W + b                                        # [B, out_features]
    return output

if __name__ == "__main__":
    import jax
    _d = setup_inputs()
    print(jax.jit(kernel)(*tuple(_d.values())))

</pallas_src>

<mosaic_0001>
#map = affine_map<(d0, d1) -> (0)>
#map1 = affine_map<(d0, d1) -> (0, 0, 0)>
module attributes {stable_mosaic.version = 14 : i64} {
  func.func @hist_kernel(%arg0: i32, %arg1: i32, %arg2: memref<100000xi32, #tpu.memory_space<hbm>>, %arg3: memref<100000xi32, #tpu.memory_space<hbm>>, %arg4: memref<32x257x32xi32, #tpu.memory_space<hbm>>, %arg5: memref<3136xi32, #tpu.memory_space<vmem>>, %arg6: memref<3136xi32, #tpu.memory_space<vmem>>, %arg7: memref<257x32xi32, #tpu.memory_space<vmem>>) attributes {dimension_semantics = [#tpu.dimension_semantics<core_parallel>, #tpu.dimension_semantics<subcore_parallel>], iteration_bounds = array<i64: 2, 16>, scalar_prefetch = 0 : i64, scratch_operands = 3 : i64, tpu.core_type = #tpu.core_type<sc_vector_subcore>, window_params = [{transform_indices = #map}, {transform_indices = #map}, {transform_indices = #map1}]} {
    %mul3A = arith.constant 2 : i32
    %mul3A_0 = arith.muli %arg1, %mul3A : i32
    %add3A = arith.addi %mul3A_0, %arg0 : i32
    %broadcast_in_dim3A = arith.constant 0 : i32
    %broadcast_in_dim3A_1 = vector.broadcast %broadcast_in_dim3A : i32 to vector<16xi32>
    %scan3A = arith.constant 0 : i32
    %scan3A_2 = arith.constant 0 : i32
    %scan3A_3 = arith.constant 257 : i32
    %scan3A_4 = arith.addi %scan3A_2, %scan3A_3 : i32
    %scan3A_5 = arith.constant 1 : i32
    %scan3A_6 = scf.for %scan3A_16 = %scan3A_2 to %scan3A_4 step %scan3A_5 iter_args(%scan3A_17 = %scan3A) -> (i32)  : i32 {
      %swap3A = arith.index_cast %scan3A_16 : i32 to index
      %swap3A_18 = arith.constant 0 : index
      %swap3A_19 = tpu.vector_load %arg7[%swap3A, %swap3A_18] {strides = array<i32>} : memref<257x32xi32, #tpu.memory_space<vmem>>, vector<16xi32>,
      tpu.vector_store %arg7[%swap3A, %swap3A_18], %broadcast_in_dim3A_1 {strides = array<i32>} : memref<257x32xi32, #tpu.memory_space<vmem>>, vector<16xi32>,
      %swap3A_20 = arith.index_cast %scan3A_16 : i32 to index
      %swap3A_21 = arith.constant 16 : index
      %swap3A_22 = tpu.vector_load %arg7[%swap3A_20, %swap3A_21] {strides = array<i32>} : memref<257x32xi32, #tpu.memory_space<vmem>>, vector<16xi32>,
      tpu.vector_store %arg7[%swap3A_20, %swap3A_21], %broadcast_in_dim3A_1 {strides = array<i32>} : memref<257x32xi32, #tpu.memory_space<vmem>>, vector<16xi32>,
      %scan3A_23 = arith.constant 0 : i32
      scf.yield %scan3A_23 : i32
    }
    %scan3A_7 = arith.constant 257 : i32
    %broadcast_in_dim3A_8 = arith.constant 1 : i32
    %broadcast_in_dim3A_9 = vector.broadcast %broadcast_in_dim3A_8 : i32 to vector<16xi32>
    %lt3A = arith.constant 10 : i32
    %lt3A_10 = arith.cmpi slt, %add3A, %lt3A : i32
    %convert_element_type3A = arith.extui %lt3A_10 : i1 to i32
    %cond3A = arith.constant 0 : i32
    %cond3A_11 = arith.cmpi ne, %convert_element_type3A, %cond3A : i32
    scf.if %cond3A_11 {
      %mul3A_16 = arith.constant 3136 : i32
      %mul3A_17 = arith.muli %add3A, %mul3A_16 : i32
      "tpu.region"() ({
        %run_scoped3A = tpu.sem_alloc : memref<!tpu.dma_semaphore, #tpu.memory_space<semaphore_mem>>
        %dma_start3A = arith.constant 0 : i32
        %dma_start3A_25 = tpu.memref_slice %arg5[%dma_start3A] : memref<3136xi32, #tpu.memory_space<vmem>> -> memref<3136xi32, #tpu.memory_space<vmem>>
        %dma_start3A_26 = tpu.memref_slice %arg2[%mul3A_17] : memref<100000xi32, #tpu.memory_space<hbm>> -> memref<3136xi32, #tpu.memory_space<hbm>>
        %dma_start3A_27 = arith.constant 0 : i32
        %dma_start3A_28 = tpu.memref_slice %arg5[%dma_start3A_27] : memref<3136xi32, #tpu.memory_space<vmem>> -> memref<3136xi32, #tpu.memory_space<vmem>>
        %dma_start3A_29 = tpu.memref_slice %arg2[%mul3A_17] : memref<100000xi32, #tpu.memory_space<hbm>> -> memref<3136xi32, #tpu.memory_space<hbm>>
        tpu.enqueue_dma source(%dma_start3A_29 : memref<3136xi32, #tpu.memory_space<hbm>>) target(%dma_start3A_28 : memref<3136xi32, #tpu.memory_space<vmem>>) target_semaphore(%run_scoped3A : memref<!tpu.dma_semaphore, #tpu.memory_space<semaphore_mem>>)
        %dma_wait3A = arith.constant 0 : i32
        %dma_wait3A_30 = tpu.memref_slice %arg5[%dma_wait3A] : memref<3136xi32, #tpu.memory_space<vmem>> -> memref<3136xi32, #tpu.memory_space<vmem>>
        %dma_wait3A_31 = tpu.memref_slice %arg2[%mul3A_17] : memref<100000xi32, #tpu.memory_space<hbm>> -> memref<3136xi32, #tpu.memory_space<hbm>>
        %dma_wait3A_32 = arith.constant 0 : i32
        %dma_wait3A_33 = tpu.memref_slice %arg5[%dma_wait3A_32] : memref<3136xi32, #tpu.memory_space<vmem>> -> memref<3136xi32, #tpu.memory_space<vmem>>
        %dma_wait3A_34 = tpu.memref_slice %arg2[%mul3A_17] : memref<100000xi32, #tpu.memory_space<hbm>> -> memref<3136xi32, #tpu.memory_space<hbm>>
        tpu.wait_dma2 semaphore(%run_scoped3A : memref<!tpu.dma_semaphore, #tpu.memory_space<semaphore_mem>>) src(%dma_wait3A_34 : memref<3136xi32, #tpu.memory_space<hbm>>) dst(%dma_wait3A_33 : memref<3136xi32, #tpu.memory_space<vmem>>)
        tpu.yield
      }) : () -> ()
      "tpu.region"() ({
        %run_scoped3A = tpu.sem_alloc : memref<!tpu.dma_semaphore, #tpu.memory_space<semaphore_mem>>
        %dma_start3A = arith.constant 0 : i32
        %dma_start3A_25 = tpu.memref_slice %arg6[%dma_start3A] : memref<3136xi32, #tpu.memory_space<vmem>> -> memref<3136xi32, #tpu.memory_space<vmem>>
        %dma_start3A_26 = tpu.memref_slice %arg3[%mul3A_17] : memref<100000xi32, #tpu.memory_space<hbm>> -> memref<3136xi32, #tpu.memory_space<hbm>>
        %dma_start3A_27 = arith.constant 0 : i32
        %dma_start3A_28 = tpu.memref_slice %arg6[%dma_start3A_27] : memref<3136xi32, #tpu.memory_space<vmem>> -> memref<3136xi32, #tpu.memory_space<vmem>>
        %dma_start3A_29 = tpu.memref_slice %arg3[%mul3A_17] : memref<100000xi32, #tpu.memory_space<hbm>> -> memref<3136xi32, #tpu.memory_space<hbm>>
        tpu.enqueue_dma source(%dma_start3A_29 : memref<3136xi32, #tpu.memory_space<hbm>>) target(%dma_start3A_28 : memref<3136xi32, #tpu.memory_space<vmem>>) target_semaphore(%run_scoped3A : memref<!tpu.dma_semaphore, #tpu.memory_space<semaphore_mem>>)
        %dma_wait3A = arith.constant 0 : i32
        %dma_wait3A_30 = tpu.memref_slice %arg6[%dma_wait3A] : memref<3136xi32, #tpu.memory_space<vmem>> -> memref<3136xi32, #tpu.memory_space<vmem>>
        %dma_wait3A_31 = tpu.memref_slice %arg3[%mul3A_17] : memref<100000xi32, #tpu.memory_space<hbm>> -> memref<3136xi32, #tpu.memory_space<hbm>>
        %dma_wait3A_32 = arith.constant 0 : i32
        %dma_wait3A_33 = tpu.memref_slice %arg6[%dma_wait3A_32] : memref<3136xi32, #tpu.memory_space<vmem>> -> memref<3136xi32, #tpu.memory_space<vmem>>
        %dma_wait3A_34 = tpu.memref_slice %arg3[%mul3A_17] : memref<100000xi32, #tpu.memory_space<hbm>> -> memref<3136xi32, #tpu.memory_space<hbm>>
        tpu.wait_dma2 semaphore(%run_scoped3A : memref<!tpu.dma_semaphore, #tpu.memory_space<semaphore_mem>>) src(%dma_wait3A_34 : memref<3136xi32, #tpu.memory_space<hbm>>) dst(%dma_wait3A_33 : memref<3136xi32, #tpu.memory_space<vmem>>)
        tpu.yield
      }) : () -> ()
      %scan3A_18 = arith.constant 0 : i32
      %scan3A_19 = arith.constant 0 : i32
      %scan3A_20 = arith.constant 196 : i32
      %scan3A_21 = arith.addi %scan3A_19, %scan3A_20 : i32
      %scan3A_22 = arith.constant 1 : i32
      %scan3A_23 = scf.for %scan3A_25 = %scan3A_19 to %scan3A_21 step %scan3A_22 iter_args(%scan3A_26 = %scan3A_18) -> (i32)  : i32 {
        %mul3A_27 = arith.constant 16 : i32
        %mul3A_28 = arith.muli %scan3A_25, %mul3A_27 : i32
        %get3A = arith.index_cast %mul3A_28 : i32 to index
        %get3A_29 = tpu.vector_load %arg5[%get3A] {strides = array<i32>} : memref<3136xi32, #tpu.memory_space<vmem>>, vector<16xi32>,
        %mul3A_30 = arith.constant 16 : i32
        %mul3A_31 = arith.muli %scan3A_25, %mul3A_30 : i32
        %get3A_32 = arith.index_cast %mul3A_31 : i32 to index
        %get3A_33 = tpu.vector_load %arg6[%get3A_32] {strides = array<i32>} : memref<3136xi32, #tpu.memory_space<vmem>>, vector<16xi32>,
        tpu.vector_store_idx %arg7[%get3A_33, %get3A_29], %broadcast_in_dim3A_9 {add = true} : memref<257x32xi32, #tpu.memory_space<vmem>>[vector<16xi32>, vector<16xi32>], vector<16xi32>,
        %scan3A_34 = arith.constant 0 : i32
        scf.yield %scan3A_34 : i32
      }
      %scan3A_24 = arith.constant 196 : i32
    } else {
    }
    %ge3A = arith.constant 10 : i32
    %ge3A_12 = arith.cmpi sge, %add3A, %ge3A : i32
    %convert_element_type3A_13 = arith.extui %ge3A_12 : i1 to i32
    %cond3A_14 = arith.constant 0 : i32
    %cond3A_15 = arith.cmpi ne, %convert_element_type3A_13, %cond3A_14 : i32
    scf.if %cond3A_15 {
      %sub3A = arith.constant 10 : i32
      %sub3A_16 = arith.subi %add3A, %sub3A : i32
      %mul3A_17 = arith.constant 3120 : i32
      %mul3A_18 = arith.muli %sub3A_16, %mul3A_17 : i32
      %add3A_19 = arith.constant 31360 : i32
      %add3A_20 = arith.addi %add3A_19, %mul3A_18 : i32
      "tpu.region"() ({
        %run_scoped3A = tpu.sem_alloc : memref<!tpu.dma_semaphore, #tpu.memory_space<semaphore_mem>>
        %dma_start3A = arith.constant 0 : i32
        %dma_start3A_28 = tpu.memref_slice %arg5[%dma_start3A] : memref<3136xi32, #tpu.memory_space<vmem>> -> memref<3120xi32, #tpu.memory_space<vmem>>
        %dma_start3A_29 = tpu.memref_slice %arg2[%add3A_20] : memref<100000xi32, #tpu.memory_space<hbm>> -> memref<3120xi32, #tpu.memory_space<hbm>>
        %dma_start3A_30 = arith.constant 0 : i32
        %dma_start3A_31 = tpu.memref_slice %arg5[%dma_start3A_30] : memref<3136xi32, #tpu.memory_space<vmem>> -> memref<3120xi32, #tpu.memory_space<vmem>>
        %dma_start3A_32 = tpu.memref_slice %arg2[%add3A_20] : memref<100000xi32, #tpu.memory_space<hbm>> -> memref<3120xi32, #tpu.memory_space<hbm>>
        tpu.enqueue_dma source(%dma_start3A_32 : memref<3120xi32, #tpu.memory_space<hbm>>) target(%dma_start3A_31 : memref<3120xi32, #tpu.memory_space<vmem>>) target_semaphore(%run_scoped3A : memref<!tpu.dma_semaphore, #tpu.memory_space<semaphore_mem>>)
        %dma_wait3A = arith.constant 0 : i32
        %dma_wait3A_33 = tpu.memref_slice %arg5[%dma_wait3A] : memref<3136xi32, #tpu.memory_space<vmem>> -> memref<3120xi32, #tpu.memory_space<vmem>>
        %dma_wait3A_34 = tpu.memref_slice %arg2[%add3A_20] : memref<100000xi32, #tpu.memory_space<hbm>> -> memref<3120xi32, #tpu.memory_space<hbm>>
        %dma_wait3A_35 = arith.constant 0 : i32
        %dma_wait3A_36 = tpu.memref_slice %arg5[%dma_wait3A_35] : memref<3136xi32, #tpu.memory_space<vmem>> -> memref<3120xi32, #tpu.memory_space<vmem>>
        %dma_wait3A_37 = tpu.memref_slice %arg2[%add3A_20] : memref<100000xi32, #tpu.memory_space<hbm>> -> memref<3120xi32, #tpu.memory_space<hbm>>
        tpu.wait_dma2 semaphore(%run_scoped3A : memref<!tpu.dma_semaphore, #tpu.memory_space<semaphore_mem>>) src(%dma_wait3A_37 : memref<3120xi32, #tpu.memory_space<hbm>>) dst(%dma_wait3A_36 : memref<3120xi32, #tpu.memory_space<vmem>>)
        tpu.yield
      }) : () -> ()
      "tpu.region"() ({
        %run_scoped3A = tpu.sem_alloc : memref<!tpu.dma_semaphore, #tpu.memory_space<semaphore_mem>>
        %dma_start3A = arith.constant 0 : i32
        %dma_start3A_28 = tpu.memref_slice %arg6[%dma_start3A] : memref<3136xi32, #tpu.memory_space<vmem>> -> memref<3120xi32, #tpu.memory_space<vmem>>
        %dma_start3A_29 = tpu.memref_slice %arg3[%add3A_20] : memref<100000xi32, #tpu.memory_space<hbm>> -> memref<3120xi32, #tpu.memory_space<hbm>>
        %dma_start3A_30 = arith.constant 0 : i32
        %dma_start3A_31 = tpu.memref_slice %arg6[%dma_start3A_30] : memref<3136xi32, #tpu.memory_space<vmem>> -> memref<3120xi32, #tpu.memory_space<vmem>>
        %dma_start3A_32 = tpu.memref_slice %arg3[%add3A_20] : memref<100000xi32, #tpu.memory_space<hbm>> -> memref<3120xi32, #tpu.memory_space<hbm>>
        tpu.enqueue_dma source(%dma_start3A_32 : memref<3120xi32, #tpu.memory_space<hbm>>) target(%dma_start3A_31 : memref<3120xi32, #tpu.memory_space<vmem>>) target_semaphore(%run_scoped3A : memref<!tpu.dma_semaphore, #tpu.memory_space<semaphore_mem>>)
        %dma_wait3A = arith.constant 0 : i32
        %dma_wait3A_33 = tpu.memref_slice %arg6[%dma_wait3A] : memref<3136xi32, #tpu.memory_space<vmem>> -> memref<3120xi32, #tpu.memory_space<vmem>>
        %dma_wait3A_34 = tpu.memref_slice %arg3[%add3A_20] : memref<100000xi32, #tpu.memory_space<hbm>> -> memref<3120xi32, #tpu.memory_space<hbm>>
        %dma_wait3A_35 = arith.constant 0 : i32
        %dma_wait3A_36 = tpu.memref_slice %arg6[%dma_wait3A_35] : memref<3136xi32, #tpu.memory_space<vmem>> -> memref<3120xi32, #tpu.memory_space<vmem>>
        %dma_wait3A_37 = tpu.memref_slice %arg3[%add3A_20] : memref<100000xi32, #tpu.memory_space<hbm>> -> memref<3120xi32, #tpu.memory_space<hbm>>
        tpu.wait_dma2 semaphore(%run_scoped3A : memref<!tpu.dma_semaphore, #tpu.memory_space<semaphore_mem>>) src(%dma_wait3A_37 : memref<3120xi32, #tpu.memory_space<hbm>>) dst(%dma_wait3A_36 : memref<3120xi32, #tpu.memory_space<vmem>>)
        tpu.yield
      }) : () -> ()
      %scan3A_21 = arith.constant 0 : i32
      %scan3A_22 = arith.constant 0 : i32
      %scan3A_23 = arith.constant 195 : i32
      %scan3A_24 = arith.addi %scan3A_22, %scan3A_23 : i32
      %scan3A_25 = arith.constant 1 : i32
      %scan3A_26 = scf.for %scan3A_28 = %scan3A_22 to %scan3A_24 step %scan3A_25 iter_args(%scan3A_29 = %scan3A_21) -> (i32)  : i32 {
        %mul3A_30 = arith.constant 16 : i32
        %mul3A_31 = arith.muli %scan3A_28, %mul3A_30 : i32
        %get3A = arith.index_cast %mul3A_31 : i32 to index
        %get3A_32 = tpu.vector_load %arg5[%get3A] {strides = array<i32>} : memref<3136xi32, #tpu.memory_space<vmem>>, vector<16xi32>,
        %mul3A_33 = arith.constant 16 : i32
        %mul3A_34 = arith.muli %scan3A_28, %mul3A_33 : i32
        %get3A_35 = arith.index_cast %mul3A_34 : i32 to index
        %get3A_36 = tpu.vector_load %arg6[%get3A_35] {strides = array<i32>} : memref<3136xi32, #tpu.memory_space<vmem>>, vector<16xi32>,
        tpu.vector_store_idx %arg7[%get3A_36, %get3A_32], %broadcast_in_dim3A_9 {add = true} : memref<257x32xi32, #tpu.memory_space<vmem>>[vector<16xi32>, vector<16xi32>], vector<16xi32>,
        %scan3A_37 = arith.constant 0 : i32
        scf.yield %scan3A_37 : i32
      }
      %scan3A_27 = arith.constant 195 : i32
    } else {
    }
    "tpu.region"() ({
      %run_scoped3A = tpu.sem_alloc : memref<!tpu.dma_semaphore, #tpu.memory_space<semaphore_mem>>
      %dma_start3A = arith.constant 0 : i32
      %dma_start3A_16 = arith.constant 0 : i32
      %dma_start3A_17 = tpu.memref_slice %arg4[%add3A, %dma_start3A, %dma_start3A_16] : memref<32x257x32xi32, #tpu.memory_space<hbm>> -> memref<1x257x32xi32, #tpu.memory_space<hbm>>
      %dma_start3A_18 = tpu.memref_squeeze %dma_start3A_17 : memref<1x257x32xi32, #tpu.memory_space<hbm>> -> memref<257x32xi32, #tpu.memory_space<hbm>>
      %dma_start3A_19 = arith.constant 0 : i32
      %dma_start3A_20 = arith.constant 0 : i32
      %dma_start3A_21 = tpu.memref_slice %arg4[%add3A, %dma_start3A_19, %dma_start3A_20] : memref<32x257x32xi32, #tpu.memory_space<hbm>> -> memref<1x257x32xi32, #tpu.memory_space<hbm>>
      %dma_start3A_22 = tpu.memref_squeeze %dma_start3A_21 : memref<1x257x32xi32, #tpu.memory_space<hbm>> -> memref<257x32xi32, #tpu.memory_space<hbm>>
      tpu.enqueue_dma source(%arg7 : memref<257x32xi32, #tpu.memory_space<vmem>>) target(%dma_start3A_22 : memref<257x32xi32, #tpu.memory_space<hbm>>) target_semaphore(%run_scoped3A : memref<!tpu.dma_semaphore, #tpu.memory_space<semaphore_mem>>)
      %dma_wait3A = arith.constant 0 : i32
      %dma_wait3A_23 = arith.constant 0 : i32
      %dma_wait3A_24 = tpu.memref_slice %arg4[%add3A, %dma_wait3A, %dma_wait3A_23] : memref<32x257x32xi32, #tpu.memory_space<hbm>> -> memref<1x257x32xi32, #tpu.memory_space<hbm>>
      %dma_wait3A_25 = tpu.memref_squeeze %dma_wait3A_24 : memref<1x257x32xi32, #tpu.memory_space<hbm>> -> memref<257x32xi32, #tpu.memory_space<hbm>>
      %dma_wait3A_26 = arith.constant 0 : i32
      %dma_wait3A_27 = arith.constant 0 : i32
      %dma_wait3A_28 = tpu.memref_slice %arg4[%add3A, %dma_wait3A_26, %dma_wait3A_27] : memref<32x257x32xi32, #tpu.memory_space<hbm>> -> memref<1x257x32xi32, #tpu.memory_space<hbm>>
      %dma_wait3A_29 = tpu.memref_squeeze %dma_wait3A_28 : memref<1x257x32xi32, #tpu.memory_space<hbm>> -> memref<257x32xi32, #tpu.memory_space<hbm>>
      tpu.wait_dma2 semaphore(%run_scoped3A : memref<!tpu.dma_semaphore, #tpu.memory_space<semaphore_mem>>) src(%arg7 : memref<257x32xi32, #tpu.memory_space<vmem>>) dst(%dma_wait3A_29 : memref<257x32xi32, #tpu.memory_space<hbm>>)
      tpu.yield
    }) : () -> ()
    return
  }
}

module attributes {stable_mosaic.version = 14 : i64} {
  func.func @_dense_body(%arg0: memref<32x257x32xi32, #tpu.memory_space<vmem>>, %arg1: memref<16x8xf32, #tpu.memory_space<vmem>>, %arg2: memref<16x8x32xf32, #tpu.memory_space<vmem>>, %arg3: memref<16x120xf32, #tpu.memory_space<vmem>>, %arg4: memref<120x10xf32, #tpu.memory_space<vmem>>, %arg5: memref<1x10xf32, #tpu.memory_space<vmem>>, %arg6: memref<256x10xf32, #tpu.memory_space<vmem>>) attributes {dimension_semantics = [], scalar_prefetch = 0 : i64, scratch_operands = 0 : i64, tpu.core_type = #tpu.core_type<tc>} {
    %get3A = arith.constant 0 : index
    %get3A_0 = arith.constant 0 : index
    %get3A_1 = vector.load %arg1[%get3A, %get3A_0] : memref<16x8xf32, #tpu.memory_space<vmem>>, vector<16x8xf32>
    %reduce_max3A = arith.constant dense<0xFF800000> : vector<16xf32>
    %reduce_max3A_2 = vector.multi_reduction <maximumf>, %get3A_1, %reduce_max3A [1] : vector<16x8xf32> to vector<16xf32>
    %broadcast_in_dim3A = vector.shape_cast %reduce_max3A_2 : vector<16xf32> to vector<16x1xf32>
    %sub3A = vector.broadcast %broadcast_in_dim3A : vector<16x1xf32> to vector<16x8xf32>
    %sub3A_3 = arith.subf %get3A_1, %sub3A : vector<16x8xf32>
    %exp3A = math.exp %sub3A_3 : vector<16x8xf32>
    %reduce_sum3A = arith.constant dense<0.000000e+00> : vector<16xf32>
    %reduce_sum3A_4 = vector.multi_reduction <add>, %exp3A, %reduce_sum3A [1] : vector<16x8xf32> to vector<16xf32>
    %broadcast_in_dim3A_5 = vector.shape_cast %reduce_sum3A_4 : vector<16xf32> to vector<16x1xf32>
    %log3A = math.log %broadcast_in_dim3A_5 : vector<16x1xf32>
    %add3A = arith.addf %broadcast_in_dim3A, %log3A : vector<16x1xf32>
    %sub3A_6 = vector.broadcast %add3A : vector<16x1xf32> to vector<16x8xf32>
    %sub3A_7 = arith.subf %get3A_1, %sub3A_6 : vector<16x8xf32>
    %get3A_8 = arith.constant 0 : index
    %get3A_9 = arith.constant 0 : index
    %get3A_10 = arith.constant 0 : index
    %get3A_11 = vector.load %arg2[%get3A_8, %get3A_9, %get3A_10] : memref<16x8x32xf32, #tpu.memory_space<vmem>>, vector<16x8x32xf32>
    %reduce_max3A_12 = arith.constant dense<0xFF800000> : vector<16x8xf32>
    %reduce_max3A_13 = vector.multi_reduction <maximumf>, %get3A_11, %reduce_max3A_12 [2] : vector<16x8x32xf32> to vector<16x8xf32>
    %broadcast_in_dim3A_14 = vector.shape_cast %reduce_max3A_13 : vector<16x8xf32> to vector<16x8x1xf32>
    %sub3A_15 = vector.broadcast %broadcast_in_dim3A_14 : vector<16x8x1xf32> to vector<16x8x32xf32>
    %sub3A_16 = arith.subf %get3A_11, %sub3A_15 : vector<16x8x32xf32>
    %exp3A_17 = math.exp %sub3A_16 : vector<16x8x32xf32>
    %reduce_sum3A_18 = arith.constant dense<0.000000e+00> : vector<16x8xf32>
    %reduce_sum3A_19 = vector.multi_reduction <add>, %exp3A_17, %reduce_sum3A_18 [2] : vector<16x8x32xf32> to vector<16x8xf32>
    %broadcast_in_dim3A_20 = vector.shape_cast %reduce_sum3A_19 : vector<16x8xf32> to vector<16x8x1xf32>
    %log3A_21 = math.log %broadcast_in_dim3A_20 : vector<16x8x1xf32>
    %add3A_22 = arith.addf %broadcast_in_dim3A_14, %log3A_21 : vector<16x8x1xf32>
    %slice3A = vector.extract_strided_slice %sub3A_7 {offsets = [0, 0], sizes = [16, 1], strides = [1, 1]} : vector<16x8xf32> to vector<16x1xf32>
    %squeeze3A = vector.shape_cast %slice3A : vector<16x1xf32> to vector<16xf32>
    %broadcast_in_dim3A_23 = vector.shape_cast %squeeze3A : vector<16xf32> to vector<16x1xf32>
    %slice3A_24 = vector.extract_strided_slice %get3A_11 {offsets = [0, 0, 0], sizes = [16, 1, 32], strides = [1, 1, 1]} : vector<16x8x32xf32> to vector<16x1x32xf32>
    %squeeze3A_25 = vector.shape_cast %slice3A_24 : vector<16x1x32xf32> to vector<16x32xf32>
    %slice3A_26 = vector.extract_strided_slice %add3A_22 {offsets = [0, 0, 0], sizes = [16, 1, 1], strides = [1, 1, 1]} : vector<16x8x1xf32> to vector<16x1x1xf32>
    %squeeze3A_27 = vector.shape_cast %slice3A_26 : vector<16x1x1xf32> to vector<16x1xf32>
    %sub3A_28 = vector.broadcast %squeeze3A_27 : vector<16x1xf32> to vector<16x32xf32>
    %sub3A_29 = arith.subf %squeeze3A_25, %sub3A_28 : vector<16x32xf32>
    %add3A_30 = vector.broadcast %broadcast_in_dim3A_23 : vector<16x1xf32> to vector<16x32xf32>
    %add3A_31 = arith.addf %add3A_30, %sub3A_29 : vector<16x32xf32>
    %slice3A_32 = vector.extract_strided_slice %sub3A_7 {offsets = [0, 1], sizes = [16, 1], strides = [1, 1]} : vector<16x8xf32> to vector<16x1xf32>
    %squeeze3A_33 = vector.shape_cast %slice3A_32 : vector<16x1xf32> to vector<16xf32>
    %broadcast_in_dim3A_34 = vector.shape_cast %squeeze3A_33 : vector<16xf32> to vector<16x1xf32>
    %slice3A_35 = vector.extract_strided_slice %get3A_11 {offsets = [0, 1, 0], sizes = [16, 1, 32], strides = [1, 1, 1]} : vector<16x8x32xf32> to vector<16x1x32xf32>
    %squeeze3A_36 = vector.shape_cast %slice3A_35 : vector<16x1x32xf32> to vector<16x32xf32>
    %slice3A_37 = vector.extract_strided_slice %add3A_22 {offsets = [0, 1, 0], sizes = [16, 1, 1], strides = [1, 1, 1]} : vector<16x8x1xf32> to vector<16x1x1xf32>
    %squeeze3A_38 = vector.shape_cast %slice3A_37 : vector<16x1x1xf32> to vector<16x1xf32>
    %sub3A_39 = vector.broadcast %squeeze3A_38 : vector<16x1xf32> to vector<16x32xf32>
    %sub3A_40 = arith.subf %squeeze3A_36, %sub3A_39 : vector<16x32xf32>
    %add3A_41 = vector.broadcast %broadcast_in_dim3A_34 : vector<16x1xf32> to vector<16x32xf32>
    %add3A_42 = arith.addf %add3A_41, %sub3A_40 : vector<16x32xf32>
    %slice3A_43 = vector.extract_strided_slice %sub3A_7 {offsets = [0, 2], sizes = [16, 1], strides = [1, 1]} : vector<16x8xf32> to vector<16x1xf32>
    %squeeze3A_44 = vector.shape_cast %slice3A_43 : vector<16x1xf32> to vector<16xf32>
    %broadcast_in_dim3A_45 = vector.shape_cast %squeeze3A_44 : vector<16xf32> to vector<16x1xf32>
    %slice3A_46 = vector.extract_strided_slice %get3A_11 {offsets = [0, 2, 0], sizes = [16, 1, 32], strides = [1, 1, 1]} : vector<16x8x32xf32> to vector<16x1x32xf32>
    %squeeze3A_47 = vector.shape_cast %slice3A_46 : vector<16x1x32xf32> to vector<16x32xf32>
    %slice3A_48 = vector.extract_strided_slice %add3A_22 {offsets = [0, 2, 0], sizes = [16, 1, 1], strides = [1, 1, 1]} : vector<16x8x1xf32> to vector<16x1x1xf32>
    %squeeze3A_49 = vector.shape_cast %slice3A_48 : vector<16x1x1xf32> to vector<16x1xf32>
    %sub3A_50 = vector.broadcast %squeeze3A_49 : vector<16x1xf32> to vector<16x32xf32>
    %sub3A_51 = arith.subf %squeeze3A_47, %sub3A_50 : vector<16x32xf32>
    %add3A_52 = vector.broadcast %broadcast_in_dim3A_45 : vector<16x1xf32> to vector<16x32xf32>
    %add3A_53 = arith.addf %add3A_52, %sub3A_51 : vector<16x32xf32>
    %slice3A_54 = vector.extract_strided_slice %sub3A_7 {offsets = [0, 3], sizes = [16, 1], strides = [1, 1]} : vector<16x8xf32> to vector<16x1xf32>
    %squeeze3A_55 = vector.shape_cast %slice3A_54 : vector<16x1xf32> to vector<16xf32>
    %broadcast_in_dim3A_56 = vector.shape_cast %squeeze3A_55 : vector<16xf32> to vector<16x1xf32>
    %slice3A_57 = vector.extract_strided_slice %get3A_11 {offsets = [0, 3, 0], sizes = [16, 1, 32], strides = [1, 1, 1]} : vector<16x8x32xf32> to vector<16x1x32xf32>
    %squeeze3A_58 = vector.shape_cast %slice3A_57 : vector<16x1x32xf32> to vector<16x32xf32>
    %slice3A_59 = vector.extract_strided_slice %add3A_22 {offsets = [0, 3, 0], sizes = [16, 1, 1], strides = [1, 1, 1]} : vector<16x8x1xf32> to vector<16x1x1xf32>
    %squeeze3A_60 = vector.shape_cast %slice3A_59 : vector<16x1x1xf32> to vector<16x1xf32>
    %sub3A_61 = vector.broadcast %squeeze3A_60 : vector<16x1xf32> to vector<16x32xf32>
    %sub3A_62 = arith.subf %squeeze3A_58, %sub3A_61 : vector<16x32xf32>
    %add3A_63 = vector.broadcast %broadcast_in_dim3A_56 : vector<16x1xf32> to vector<16x32xf32>
    %add3A_64 = arith.addf %add3A_63, %sub3A_62 : vector<16x32xf32>
    %slice3A_65 = vector.extract_strided_slice %sub3A_7 {offsets = [0, 4], sizes = [16, 1], strides = [1, 1]} : vector<16x8xf32> to vector<16x1xf32>
    %squeeze3A_66 = vector.shape_cast %slice3A_65 : vector<16x1xf32> to vector<16xf32>
    %broadcast_in_dim3A_67 = vector.shape_cast %squeeze3A_66 : vector<16xf32> to vector<16x1xf32>
    %slice3A_68 = vector.extract_strided_slice %get3A_11 {offsets = [0, 4, 0], sizes = [16, 1, 32], strides = [1, 1, 1]} : vector<16x8x32xf32> to vector<16x1x32xf32>
    %squeeze3A_69 = vector.shape_cast %slice3A_68 : vector<16x1x32xf32> to vector<16x32xf32>
    %slice3A_70 = vector.extract_strided_slice %add3A_22 {offsets = [0, 4, 0], sizes = [16, 1, 1], strides = [1, 1, 1]} : vector<16x8x1xf32> to vector<16x1x1xf32>
    %squeeze3A_71 = vector.shape_cast %slice3A_70 : vector<16x1x1xf32> to vector<16x1xf32>
    %sub3A_72 = vector.broadcast %squeeze3A_71 : vector<16x1xf32> to vector<16x32xf32>
    %sub3A_73 = arith.subf %squeeze3A_69, %sub3A_72 : vector<16x32xf32>
    %add3A_74 = vector.broadcast %broadcast_in_dim3A_67 : vector<16x1xf32> to vector<16x32xf32>
    %add3A_75 = arith.addf %add3A_74, %sub3A_73 : vector<16x32xf32>
    %slice3A_76 = vector.extract_strided_slice %sub3A_7 {offsets = [0, 5], sizes = [16, 1], strides = [1, 1]} : vector<16x8xf32> to vector<16x1xf32>
    %squeeze3A_77 = vector.shape_cast %slice3A_76 : vector<16x1xf32> to vector<16xf32>
    %broadcast_in_dim3A_78 = vector.shape_cast %squeeze3A_77 : vector<16xf32> to vector<16x1xf32>
    %slice3A_79 = vector.extract_strided_slice %get3A_11 {offsets = [0, 5, 0], sizes = [16, 1, 32], strides = [1, 1, 1]} : vector<16x8x32xf32> to vector<16x1x32xf32>
    %squeeze3A_80 = vector.shape_cast %slice3A_79 : vector<16x1x32xf32> to vector<16x32xf32>
    %slice3A_81 = vector.extract_strided_slice %add3A_22 {offsets = [0, 5, 0], sizes = [16, 1, 1], strides = [1, 1, 1]} : vector<16x8x1xf32> to vector<16x1x1xf32>
    %squeeze3A_82 = vector.shape_cast %slice3A_81 : vector<16x1x1xf32> to vector<16x1xf32>
    %sub3A_83 = vector.broadcast %squeeze3A_82 : vector<16x1xf32> to vector<16x32xf32>
    %sub3A_84 = arith.subf %squeeze3A_80, %sub3A_83 : vector<16x32xf32>
    %add3A_85 = vector.broadcast %broadcast_in_dim3A_78 : vector<16x1xf32> to vector<16x32xf32>
    %add3A_86 = arith.addf %add3A_85, %sub3A_84 : vector<16x32xf32>
    %slice3A_87 = vector.extract_strided_slice %sub3A_7 {offsets = [0, 6], sizes = [16, 1], strides = [1, 1]} : vector<16x8xf32> to vector<16x1xf32>
    %squeeze3A_88 = vector.shape_cast %slice3A_87 : vector<16x1xf32> to vector<16xf32>
    %broadcast_in_dim3A_89 = vector.shape_cast %squeeze3A_88 : vector<16xf32> to vector<16x1xf32>
    %slice3A_90 = vector.extract_strided_slice %get3A_11 {offsets = [0, 6, 0], sizes = [16, 1, 32], strides = [1, 1, 1]} : vector<16x8x32xf32> to vector<16x1x32xf32>
    %squeeze3A_91 = vector.shape_cast %slice3A_90 : vector<16x1x32xf32> to vector<16x32xf32>
    %slice3A_92 = vector.extract_strided_slice %add3A_22 {offsets = [0, 6, 0], sizes = [16, 1, 1], strides = [1, 1, 1]} : vector<16x8x1xf32> to vector<16x1x1xf32>
    %squeeze3A_93 = vector.shape_cast %slice3A_92 : vector<16x1x1xf32> to vector<16x1xf32>
    %sub3A_94 = vector.broadcast %squeeze3A_93 : vector<16x1xf32> to vector<16x32xf32>
    %sub3A_95 = arith.subf %squeeze3A_91, %sub3A_94 : vector<16x32xf32>
    %add3A_96 = vector.broadcast %broadcast_in_dim3A_89 : vector<16x1xf32> to vector<16x32xf32>
    %add3A_97 = arith.addf %add3A_96, %sub3A_95 : vector<16x32xf32>
    %slice3A_98 = vector.extract_strided_slice %sub3A_7 {offsets = [0, 7], sizes = [16, 1], strides = [1, 1]} : vector<16x8xf32> to vector<16x1xf32>
    %squeeze3A_99 = vector.shape_cast %slice3A_98 : vector<16x1xf32> to vector<16xf32>
    %broadcast_in_dim3A_100 = vector.shape_cast %squeeze3A_99 : vector<16xf32> to vector<16x1xf32>
    %slice3A_101 = vector.extract_strided_slice %get3A_11 {offsets = [0, 7, 0], sizes = [16, 1, 32], strides = [1, 1, 1]} : vector<16x8x32xf32> to vector<16x1x32xf32>
    %squeeze3A_102 = vector.shape_cast %slice3A_101 : vector<16x1x32xf32> to vector<16x32xf32>
    %slice3A_103 = vector.extract_strided_slice %add3A_22 {offsets = [0, 7, 0], sizes = [16, 1, 1], strides = [1, 1, 1]} : vector<16x8x1xf32> to vector<16x1x1xf32>
    %squeeze3A_104 = vector.shape_cast %slice3A_103 : vector<16x1x1xf32> to vector<16x1xf32>
    %sub3A_105 = vector.broadcast %squeeze3A_104 : vector<16x1xf32> to vector<16x32xf32>
    %sub3A_106 = arith.subf %squeeze3A_102, %sub3A_105 : vector<16x32xf32>
    %add3A_107 = vector.broadcast %broadcast_in_dim3A_100 : vector<16x1xf32> to vector<16x32xf32>
    %add3A_108 = arith.addf %add3A_107, %sub3A_106 : vector<16x32xf32>
    %max3A = arith.maximumf %add3A_31, %add3A_42 : vector<16x32xf32>
    %max3A_109 = arith.maximumf %max3A, %add3A_53 : vector<16x32xf32>
    %max3A_110 = arith.maximumf %max3A_109, %add3A_64 : vector<16x32xf32>
    %max3A_111 = arith.maximumf %max3A_110, %add3A_75 : vector<16x32xf32>
    %max3A_112 = arith.maximumf %max3A_111, %add3A_86 : vector<16x32xf32>
    %max3A_113 = arith.maximumf %max3A_112, %add3A_97 : vector<16x32xf32>
    %max3A_114 = arith.maximumf %max3A_113, %add3A_108 : vector<16x32xf32>
    %sub3A_115 = arith.subf %add3A_31, %max3A_114 : vector<16x32xf32>
    %exp3A_116 = math.exp %sub3A_115 : vector<16x32xf32>
    %sub3A_117 = arith.subf %add3A_42, %max3A_114 : vector<16x32xf32>
    %exp3A_118 = math.exp %sub3A_117 : vector<16x32xf32>
    %add3A_119 = arith.addf %exp3A_116, %exp3A_118 : vector<16x32xf32>
    %sub3A_120 = arith.subf %add3A_53, %max3A_114 : vector<16x32xf32>
    %exp3A_121 = math.exp %sub3A_120 : vector<16x32xf32>
    %add3A_122 = arith.addf %add3A_119, %exp3A_121 : vector<16x32xf32>
    %sub3A_123 = arith.subf %add3A_64, %max3A_114 : vector<16x32xf32>
    %exp3A_124 = math.exp %sub3A_123 : vector<16x32xf32>
    %add3A_125 = arith.addf %add3A_122, %exp3A_124 : vector<16x32xf32>
    %sub3A_126 = arith.subf %add3A_75, %max3A_114 : vector<16x32xf32>
    %exp3A_127 = math.exp %sub3A_126 : vector<16x32xf32>
    %add3A_128 = arith.addf %add3A_125, %exp3A_127 : vector<16x32xf32>
    %sub3A_129 = arith.subf %add3A_86, %max3A_114 : vector<16x32xf32>
    %exp3A_130 = math.exp %sub3A_129 : vector<16x32xf32>
    %add3A_131 = arith.addf %add3A_128, %exp3A_130 : vector<16x32xf32>
    %sub3A_132 = arith.subf %add3A_97, %max3A_114 : vector<16x32xf32>
    %exp3A_133 = math.exp %sub3A_132 : vector<16x32xf32>
    %add3A_134 = arith.addf %add3A_131, %exp3A_133 : vector<16x32xf32>
    %sub3A_135 = arith.subf %add3A_108, %max3A_114 : vector<16x32xf32>
    %exp3A_136 = math.exp %sub3A_135 : vector<16x32xf32>
    %add3A_137 = arith.addf %add3A_134, %exp3A_136 : vector<16x32xf32>
    %log3A_138 = math.log %add3A_137 : vector<16x32xf32>
    %add3A_139 = arith.addf %max3A_114, %log3A_138 : vector<16x32xf32>
    %get3A_140 = arith.constant 0 : index
    %get3A_141 = arith.constant 0 : index
    %get3A_142 = arith.constant 0 : index
    %get3A_143 = vector.load %arg0[%get3A_140, %get3A_141, %get3A_142] : memref<32x257x32xi32, #tpu.memory_space<vmem>>, vector<1x256x32xi32>
    %get3A_144 = vector.shape_cast %get3A_143 : vector<1x256x32xi32> to vector<256x32xi32>
    %get3A_145 = arith.constant 1 : index
    %get3A_146 = arith.constant 0 : index
    %get3A_147 = arith.constant 0 : index
    %get3A_148 = vector.load %arg0[%get3A_145, %get3A_146, %get3A_147] : memref<32x257x32xi32, #tpu.memory_space<vmem>>, vector<1x256x32xi32>
    %get3A_149 = vector.shape_cast %get3A_148 : vector<1x256x32xi32> to vector<256x32xi32>
    %add3A_150 = arith.addi %get3A_144, %get3A_149 : vector<256x32xi32>
    %get3A_151 = arith.constant 2 : index
    %get3A_152 = arith.constant 0 : index
    %get3A_153 = arith.constant 0 : index
    %get3A_154 = vector.load %arg0[%get3A_151, %get3A_152, %get3A_153] : memref<32x257x32xi32, #tpu.memory_space<vmem>>, vector<1x256x32xi32>
    %get3A_155 = vector.shape_cast %get3A_154 : vector<1x256x32xi32> to vector<256x32xi32>
    %add3A_156 = arith.addi %add3A_150, %get3A_155 : vector<256x32xi32>
    %get3A_157 = arith.constant 3 : index
    %get3A_158 = arith.constant 0 : index
    %get3A_159 = arith.constant 0 : index
    %get3A_160 = vector.load %arg0[%get3A_157, %get3A_158, %get3A_159] : memref<32x257x32xi32, #tpu.memory_space<vmem>>, vector<1x256x32xi32>
    %get3A_161 = vector.shape_cast %get3A_160 : vector<1x256x32xi32> to vector<256x32xi32>
    %add3A_162 = arith.addi %add3A_156, %get3A_161 : vector<256x32xi32>
    %get3A_163 = arith.constant 4 : index
    %get3A_164 = arith.constant 0 : index
    %get3A_165 = arith.constant 0 : index
    %get3A_166 = vector.load %arg0[%get3A_163, %get3A_164, %get3A_165] : memref<32x257x32xi32, #tpu.memory_space<vmem>>, vector<1x256x32xi32>
    %get3A_167 = vector.shape_cast %get3A_166 : vector<1x256x32xi32> to vector<256x32xi32>
    %add3A_168 = arith.addi %add3A_162, %get3A_167 : vector<256x32xi32>
    %get3A_169 = arith.constant 5 : index
    %get3A_170 = arith.constant 0 : index
    %get3A_171 = arith.constant 0 : index
    %get3A_172 = vector.load %arg0[%get3A_169, %get3A_170, %get3A_171] : memref<32x257x32xi32, #tpu.memory_space<vmem>>, vector<1x256x32xi32>
    %get3A_173 = vector.shape_cast %get3A_172 : vector<1x256x32xi32> to vector<256x32xi32>
    %add3A_174 = arith.addi %add3A_168, %get3A_173 : vector<256x32xi32>
    %get3A_175 = arith.constant 6 : index
    %get3A_176 = arith.constant 0 : index
    %get3A_177 = arith.constant 0 : index
    %get3A_178 = vector.load %arg0[%get3A_175, %get3A_176, %get3A_177] : memref<32x257x32xi32, #tpu.memory_space<vmem>>, vector<1x256x32xi32>
    %get3A_179 = vector.shape_cast %get3A_178 : vector<1x256x32xi32> to vector<256x32xi32>
    %add3A_180 = arith.addi %add3A_174, %get3A_179 : vector<256x32xi32>
    %get3A_181 = arith.constant 7 : index
    %get3A_182 = arith.constant 0 : index
    %get3A_183 = arith.constant 0 : index
    %get3A_184 = vector.load %arg0[%get3A_181, %get3A_182, %get3A_183] : memref<32x257x32xi32, #tpu.memory_space<vmem>>, vector<1x256x32xi32>
    %get3A_185 = vector.shape_cast %get3A_184 : vector<1x256x32xi32> to vector<256x32xi32>
    %add3A_186 = arith.addi %add3A_180, %get3A_185 : vector<256x32xi32>
    %get3A_187 = arith.constant 8 : index
    %get3A_188 = arith.constant 0 : index
    %get3A_189 = arith.constant 0 : index
    %get3A_190 = vector.load %arg0[%get3A_187, %get3A_188, %get3A_189] : memref<32x257x32xi32, #tpu.memory_space<vmem>>, vector<1x256x32xi32>
    %get3A_191 = vector.shape_cast %get3A_190 : vector<1x256x32xi32> to vector<256x32xi32>
    %add3A_192 = arith.addi %add3A_186, %get3A_191 : vector<256x32xi32>
    %get3A_193 = arith.constant 9 : index
    %get3A_194 = arith.constant 0 : index
    %get3A_195 = arith.constant 0 : index
    %get3A_196 = vector.load %arg0[%get3A_193, %get3A_194, %get3A_195] : memref<32x257x32xi32, #tpu.memory_space<vmem>>, vector<1x256x32xi32>
    %get3A_197 = vector.shape_cast %get3A_196 : vector<1x256x32xi32> to vector<256x32xi32>
    %add3A_198 = arith.addi %add3A_192, %get3A_197 : vector<256x32xi32>
    %get3A_199 = arith.constant 10 : index
    %get3A_200 = arith.constant 0 : index
    %get3A_201 = arith.constant 0 : index
    %get3A_202 = vector.load %arg0[%get3A_199, %get3A_200, %get3A_201] : memref<32x257x32xi32, #tpu.memory_space<vmem>>, vector<1x256x32xi32>
    %get3A_203 = vector.shape_cast %get3A_202 : vector<1x256x32xi32> to vector<256x32xi32>
    %add3A_204 = arith.addi %add3A_198, %get3A_203 : vector<256x32xi32>
    %get3A_205 = arith.constant 11 : index
    %get3A_206 = arith.constant 0 : index
    %get3A_207 = arith.constant 0 : index
    %get3A_208 = vector.load %arg0[%get3A_205, %get3A_206, %get3A_207] : memref<32x257x32xi32, #tpu.memory_space<vmem>>, vector<1x256x32xi32>
    %get3A_209 = vector.shape_cast %get3A_208 : vector<1x256x32xi32> to vector<256x32xi32>
    %add3A_210 = arith.addi %add3A_204, %get3A_209 : vector<256x32xi32>
    %get3A_211 = arith.constant 12 : index
    %get3A_212 = arith.constant 0 : index
    %get3A_213 = arith.constant 0 : index
    %get3A_214 = vector.load %arg0[%get3A_211, %get3A_212, %get3A_213] : memref<32x257x32xi32, #tpu.memory_space<vmem>>, vector<1x256x32xi32>
    %get3A_215 = vector.shape_cast %get3A_214 : vector<1x256x32xi32> to vector<256x32xi32>
    %add3A_216 = arith.addi %add3A_210, %get3A_215 : vector<256x32xi32>
    %get3A_217 = arith.constant 13 : index
    %get3A_218 = arith.constant 0 : index
    %get3A_219 = arith.constant 0 : index
    %get3A_220 = vector.load %arg0[%get3A_217, %get3A_218, %get3A_219] : memref<32x257x32xi32, #tpu.memory_space<vmem>>, vector<1x256x32xi32>
    %get3A_221 = vector.shape_cast %get3A_220 : vector<1x256x32xi32> to vector<256x32xi32>
    %add3A_222 = arith.addi %add3A_216, %get3A_221 : vector<256x32xi32>
    %get3A_223 = arith.constant 14 : index
    %get3A_224 = arith.constant 0 : index
    %get3A_225 = arith.constant 0 : index
    %get3A_226 = vector.load %arg0[%get3A_223, %get3A_224, %get3A_225] : memref<32x257x32xi32, #tpu.memory_space<vmem>>, vector<1x256x32xi32>
    %get3A_227 = vector.shape_cast %get3A_226 : vector<1x256x32xi32> to vector<256x32xi32>
    %add3A_228 = arith.addi %add3A_222, %get3A_227 : vector<256x32xi32>
    %get3A_229 = arith.constant 15 : index
    %get3A_230 = arith.constant 0 : index
    %get3A_231 = arith.constant 0 : index
    %get3A_232 = vector.load %arg0[%get3A_229, %get3A_230, %get3A_231] : memref<32x257x32xi32, #tpu.memory_space<vmem>>, vector<1x256x32xi32>
    %get3A_233 = vector.shape_cast %get3A_232 : vector<1x256x32xi32> to vector<256x32xi32>
    %add3A_234 = arith.addi %add3A_228, %get3A_233 : vector<256x32xi32>
    %get3A_235 = arith.constant 16 : index
    %get3A_236 = arith.constant 0 : index
    %get3A_237 = arith.constant 0 : index
    %get3A_238 = vector.load %arg0[%get3A_235, %get3A_236, %get3A_237] : memref<32x257x32xi32, #tpu.memory_space<vmem>>, vector<1x256x32xi32>
    %get3A_239 = vector.shape_cast %get3A_238 : vector<1x256x32xi32> to vector<256x32xi32>
    %add3A_240 = arith.addi %add3A_234, %get3A_239 : vector<256x32xi32>
    %get3A_241 = arith.constant 17 : index
    %get3A_242 = arith.constant 0 : index
    %get3A_243 = arith.constant 0 : index
    %get3A_244 = vector.load %arg0[%get3A_241, %get3A_242, %get3A_243] : memref<32x257x32xi32, #tpu.memory_space<vmem>>, vector<1x256x32xi32>
    %get3A_245 = vector.shape_cast %get3A_244 : vector<1x256x32xi32> to vector<256x32xi32>
    %add3A_246 = arith.addi %add3A_240, %get3A_245 : vector<256x32xi32>
    %get3A_247 = arith.constant 18 : index
    %get3A_248 = arith.constant 0 : index
    %get3A_249 = arith.constant 0 : index
    %get3A_250 = vector.load %arg0[%get3A_247, %get3A_248, %get3A_249] : memref<32x257x32xi32, #tpu.memory_space<vmem>>, vector<1x256x32xi32>
    %get3A_251 = vector.shape_cast %get3A_250 : vector<1x256x32xi32> to vector<256x32xi32>
    %add3A_252 = arith.addi %add3A_246, %get3A_251 : vector<256x32xi32>
    %get3A_253 = arith.constant 19 : index
    %get3A_254 = arith.constant 0 : index
    %get3A_255 = arith.constant 0 : index
    %get3A_256 = vector.load %arg0[%get3A_253, %get3A_254, %get3A_255] : memref<32x257x32xi32, #tpu.memory_space<vmem>>, vector<1x256x32xi32>
    %get3A_257 = vector.shape_cast %get3A_256 : vector<1x256x32xi32> to vector<256x32xi32>
    %add3A_258 = arith.addi %add3A_252, %get3A_257 : vector<256x32xi32>
    %get3A_259 = arith.constant 20 : index
    %get3A_260 = arith.constant 0 : index
    %get3A_261 = arith.constant 0 : index
    %get3A_262 = vector.load %arg0[%get3A_259, %get3A_260, %get3A_261] : memref<32x257x32xi32, #tpu.memory_space<vmem>>, vector<1x256x32xi32>
    %get3A_263 = vector.shape_cast %get3A_262 : vector<1x256x32xi32> to vector<256x32xi32>
    %add3A_264 = arith.addi %add3A_258, %get3A_263 : vector<256x32xi32>
    %get3A_265 = arith.constant 21 : index
    %get3A_266 = arith.constant 0 : index
    %get3A_267 = arith.constant 0 : index
    %get3A_268 = vector.load %arg0[%get3A_265, %get3A_266, %get3A_267] : memref<32x257x32xi32, #tpu.memory_space<vmem>>, vector<1x256x32xi32>
    %get3A_269 = vector.shape_cast %get3A_268 : vector<1x256x32xi32> to vector<256x32xi32>
    %add3A_270 = arith.addi %add3A_264, %get3A_269 : vector<256x32xi32>
    %get3A_271 = arith.constant 22 : index
    %get3A_272 = arith.constant 0 : index
    %get3A_273 = arith.constant 0 : index
    %get3A_274 = vector.load %arg0[%get3A_271, %get3A_272, %get3A_273] : memref<32x257x32xi32, #tpu.memory_space<vmem>>, vector<1x256x32xi32>
    %get3A_275 = vector.shape_cast %get3A_274 : vector<1x256x32xi32> to vector<256x32xi32>
    %add3A_276 = arith.addi %add3A_270, %get3A_275 : vector<256x32xi32>
    %get3A_277 = arith.constant 23 : index
    %get3A_278 = arith.constant 0 : index
    %get3A_279 = arith.constant 0 : index
    %get3A_280 = vector.load %arg0[%get3A_277, %get3A_278, %get3A_279] : memref<32x257x32xi32, #tpu.memory_space<vmem>>, vector<1x256x32xi32>
    %get3A_281 = vector.shape_cast %get3A_280 : vector<1x256x32xi32> to vector<256x32xi32>
    %add3A_282 = arith.addi %add3A_276, %get3A_281 : vector<256x32xi32>
    %get3A_283 = arith.constant 24 : index
    %get3A_284 = arith.constant 0 : index
    %get3A_285 = arith.constant 0 : index
    %get3A_286 = vector.load %arg0[%get3A_283, %get3A_284, %get3A_285] : memref<32x257x32xi32, #tpu.memory_space<vmem>>, vector<1x256x32xi32>
    %get3A_287 = vector.shape_cast %get3A_286 : vector<1x256x32xi32> to vector<256x32xi32>
    %add3A_288 = arith.addi %add3A_282, %get3A_287 : vector<256x32xi32>
    %get3A_289 = arith.constant 25 : index
    %get3A_290 = arith.constant 0 : index
    %get3A_291 = arith.constant 0 : index
    %get3A_292 = vector.load %arg0[%get3A_289, %get3A_290, %get3A_291] : memref<32x257x32xi32, #tpu.memory_space<vmem>>, vector<1x256x32xi32>
    %get3A_293 = vector.shape_cast %get3A_292 : vector<1x256x32xi32> to vector<256x32xi32>
    %add3A_294 = arith.addi %add3A_288, %get3A_293 : vector<256x32xi32>
    %get3A_295 = arith.constant 26 : index
    %get3A_296 = arith.constant 0 : index
    %get3A_297 = arith.constant 0 : index
    %get3A_298 = vector.load %arg0[%get3A_295, %get3A_296, %get3A_297] : memref<32x257x32xi32, #tpu.memory_space<vmem>>, vector<1x256x32xi32>
    %get3A_299 = vector.shape_cast %get3A_298 : vector<1x256x32xi32> to vector<256x32xi32>
    %add3A_300 = arith.addi %add3A_294, %get3A_299 : vector<256x32xi32>
    %get3A_301 = arith.constant 27 : index
    %get3A_302 = arith.constant 0 : index
    %get3A_303 = arith.constant 0 : index
    %get3A_304 = vector.load %arg0[%get3A_301, %get3A_302, %get3A_303] : memref<32x257x32xi32, #tpu.memory_space<vmem>>, vector<1x256x32xi32>
    %get3A_305 = vector.shape_cast %get3A_304 : vector<1x256x32xi32> to vector<256x32xi32>
    %add3A_306 = arith.addi %add3A_300, %get3A_305 : vector<256x32xi32>
    %get3A_307 = arith.constant 28 : index
    %get3A_308 = arith.constant 0 : index
    %get3A_309 = arith.constant 0 : index
    %get3A_310 = vector.load %arg0[%get3A_307, %get3A_308, %get3A_309] : memref<32x257x32xi32, #tpu.memory_space<vmem>>, vector<1x256x32xi32>
    %get3A_311 = vector.shape_cast %get3A_310 : vector<1x256x32xi32> to vector<256x32xi32>
    %add3A_312 = arith.addi %add3A_306, %get3A_311 : vector<256x32xi32>
    %get3A_313 = arith.constant 29 : index
    %get3A_314 = arith.constant 0 : index
    %get3A_315 = arith.constant 0 : index
    %get3A_316 = vector.load %arg0[%get3A_313, %get3A_314, %get3A_315] : memref<32x257x32xi32, #tpu.memory_space<vmem>>, vector<1x256x32xi32>
    %get3A_317 = vector.shape_cast %get3A_316 : vector<1x256x32xi32> to vector<256x32xi32>
    %add3A_318 = arith.addi %add3A_312, %get3A_317 : vector<256x32xi32>
    %get3A_319 = arith.constant 30 : index
    %get3A_320 = arith.constant 0 : index
    %get3A_321 = arith.constant 0 : index
    %get3A_322 = vector.load %arg0[%get3A_319, %get3A_320, %get3A_321] : memref<32x257x32xi32, #tpu.memory_space<vmem>>, vector<1x256x32xi32>
    %get3A_323 = vector.shape_cast %get3A_322 : vector<1x256x32xi32> to vector<256x32xi32>
    %add3A_324 = arith.addi %add3A_318, %get3A_323 : vector<256x32xi32>
    %get3A_325 = arith.constant 31 : index
    %get3A_326 = arith.constant 0 : index
    %get3A_327 = arith.constant 0 : index
    %get3A_328 = vector.load %arg0[%get3A_325, %get3A_326, %get3A_327] : memref<32x257x32xi32, #tpu.memory_space<vmem>>, vector<1x256x32xi32>
    %get3A_329 = vector.shape_cast %get3A_328 : vector<1x256x32xi32> to vector<256x32xi32>
    %add3A_330 = arith.addi %add3A_324, %get3A_329 : vector<256x32xi32>
    %convert_element_type3A = arith.sitofp %add3A_330 : vector<256x32xi32> to vector<256x32xf32>
    %broadcast_in_dim3A_331 = vector.shape_cast %convert_element_type3A : vector<256x32xf32> to vector<256x1x32xf32>
    %broadcast_in_dim3A_332 = vector.shape_cast %add3A_139 : vector<16x32xf32> to vector<1x16x32xf32>
    %mul3A = vector.broadcast %broadcast_in_dim3A_331 : vector<256x1x32xf32> to vector<256x16x32xf32>
    %mul3A_333 = vector.broadcast %broadcast_in_dim3A_332 : vector<1x16x32xf32> to vector<256x16x32xf32>
    %mul3A_334 = arith.mulf %mul3A, %mul3A_333 : vector<256x16x32xf32>
    %reduce_sum3A_335 = arith.constant dense<0.000000e+00> : vector<256x16xf32>
    %reduce_sum3A_336 = vector.multi_reduction <add>, %mul3A_334, %reduce_sum3A_335 [2] : vector<256x16x32xf32> to vector<256x16xf32>
    %get3A_337 = arith.constant 0 : index
    %get3A_338 = arith.constant 0 : index
    %get3A_339 = vector.load %arg3[%get3A_337, %get3A_338] : memref<16x120xf32, #tpu.memory_space<vmem>>, vector<16x120xf32>
    %dot_general3A = arith.constant dense<0.000000e+00> : vector<256x120xf32>
    %dot_general3A_340 = tpu.matmul %reduce_sum3A_336, %get3A_339, %dot_general3A {dimension_numbers = #tpu.dot_dimension_numbers<[1], [0], [0], [1], [0, 0, 1, 1], [], []>, transpose_lhs_hint = false} : vector<256x16xf32>, vector<16x120xf32>, vector<256x120xf32> -> vector<256x120xf32>
    %tanh3A = math.tanh %dot_general3A_340 : vector<256x120xf32>
    %get3A_341 = arith.constant 0 : index
    %get3A_342 = arith.constant 0 : index
    %get3A_343 = vector.load %arg4[%get3A_341, %get3A_342] : memref<120x10xf32, #tpu.memory_space<vmem>>, vector<120x10xf32>
    %dot_general3A_344 = arith.constant dense<0.000000e+00> : vector<256x10xf32>
    %dot_general3A_345 = tpu.matmul %tanh3A, %get3A_343, %dot_general3A_344 {dimension_numbers = #tpu.dot_dimension_numbers<[1], [0], [0], [1], [0, 0, 1, 1], [], []>, transpose_lhs_hint = false} : vector<256x120xf32>, vector<120x10xf32>, vector<256x10xf32> -> vector<256x10xf32>
    %get3A_346 = arith.constant 0 : index
    %get3A_347 = arith.constant 0 : index
    %get3A_348 = vector.load %arg5[%get3A_346, %get3A_347] : memref<1x10xf32, #tpu.memory_space<vmem>>, vector<1x10xf32>
    %add3A_349 = vector.broadcast %get3A_348 : vector<1x10xf32> to vector<256x10xf32>
    %add3A_350 = arith.addf %dot_general3A_345, %add3A_349 : vector<256x10xf32>
    %swap3A = arith.constant 0 : index
    %swap3A_351 = arith.constant 0 : index
    %swap3A_352 = vector.load %arg6[%swap3A, %swap3A_351] : memref<256x10xf32, #tpu.memory_space<vmem>>, vector<256x10xf32>
    tpu.vector_store %arg6[%swap3A, %swap3A_351], %add3A_350 {strides = array<i32>} : memref<256x10xf32, #tpu.memory_space<vmem>>, vector<256x10xf32>,
    return
  }
}

</mosaic_0001>

<sc_bundles>
// kernel: kernel.4.cloned.1.call-start
scs
__scs_entry_jumppad:
0x0: {  	(pc) =	sbr.rel $0x88, $3  }
0x1: {  	(tag) =	ssettag $0x0;
	lr =	simm.s32 $0x1  }
0x2: {  	[smem:$0x3F9B] =	sst lr;
	_ =	strace $0xD0000000  }
0x3: {  	_ = 	snop  }
0x4: {  	_ = 	snop  }
0x5: {  	_ = 	snop  }
0x6: {  	_ = 	snop  }
0x7: {  	_ = 	snop  }
__scs_overlays_trampoline_lowered:
0x8: {  	[smem:$0x3FAA] =	sst s0  }
0x9: {  	[smem:$0x3FAB] =	sst s1  }
0xa: {  	[smem:$0x3FAC] =	sst s2  }
0xb: {  	[smem:$0x3FAD] =	sst s3  }
0xc: {  	[smem:$0x3FAE] =	sst s4  }
0xd: {  	[smem:$0x3FAF] =	sst s5  }
0xe: {  	[smem:$0x3FB0] =	sst s6  }
0xf: {  	[smem:$0x3FB1] =	sst s7  }
0x10: {  	[smem:$0x3FB2] =	sst s8  }
0x11: {  	[smem:$0x3FB3] =	sst s9;
	s0 =	simm.s32 @!p0 $0x0  }
0x12: {  	s1 =	sld [smem:$0x3F99];
	s0 =	simm.s32 @p0 $0x1  }
0x13: {  	[smem:$0x3FB4] =	sst s0;
	s0 =	simm.s32 @!p1 $0x0  }
0x14: {  	s2 =	sld [smem:$0x3F98];
	s0 =	simm.s32 @p1 $0x1  }
0x15: {  	[smem:$0x3FB5] =	sst s0;
	s0 =	simm.s32 @!p2 $0x0  }
0x16: {  	s3 =	sld [smem:$0x3FDB];
	s0 =	simm.s32 @p2 $0x1  }
0x17: {  	s4 =	simm.s32 $0x1BF5;
	[smem:$0x3FB7] =	sst s0  }
0x18: {  	s0 =	sld [smem:$0x3F9A];
	_ =	swait.ge [sflag:s4], $0x0  }
0x19: {  	s7 =	sld [smem:$0x3F9B]  }
0x1a: {  	s8 =	sadd.s32 $0xFFFFE003, lr  }
0x1b: {  	s9 =	sadd.s32 $0xFFFFFEF7, lr;
	s5 =	simm.s32 $0xFFFFFFFF;
	p2 =	slt.u32 s8, $0xFFFFF086  }
0x1c: {  	p1 =	slt.u32 s9, $0xF7A;
	s5 =	simm.s32 @!p2 $0x0  }
0x1d: {  	s5 =	simm.s32 @p1 $0x1;
	p0 =	seq.s32 s7, s2  }
0x1e: {  	s7 =	smul.u32 @!p0 $0xF7A, s2;
	p2 =	seq.s32 @!p0 s5, $0x0  }
0x1f: {  	s9 =	smul.u32 $0xF7A, s1;
	s8 =	simm.s32 @!p0 $0x1BF5;
	p2 =	por !p2, p0  }
0x20: {  	[sflag:s8] =	ssyncset.s32 @!p0 $0xFFFFF086;
	s6 =	sadd.s32 @!p0 s3, s7;
	s7 =	simm.s32 @!p0 $0x108  }
0x21: {  	s3 =	sadd.s32 s3, s9;
	s6 =	sadd.s32 @!p0 $0x88, s6;
	s7 =	simm.s32 @p2 $0x1082  }
0x22: {  	[simem:s7], [sflag:s8] =	dma.local @!p0 [hbm:s6], $0xF7A  }
0x23: {  	s9 =	sor.u32 $0xD0000000, s2;
	s6 =	simm.s32 $0x108;
	_ =	swait.ge @!p0 [sflag:s8], $0x0  }
0x24: {  	s3 =	sadd.s32 $0x88, s3;
	s6 =	simm.s32 @!p1 $0x1082;
	[sflag:s4] =	ssyncset.s32 $0xFFFFF086  }
0x25: {  	[simem:s6], [sflag:s4] =	dma.local [hbm:s3], $0xF7A  }
0x26: {  	[smem:$0x3F9B] =	sst s1;
	(tag) =	ssettag s2;
	_ =	strace s9  }
0x27: {  	s1 =	sld [smem:$0x3FAB]  }
0x28: {  	s2 =	sld [smem:$0x3FAC]  }
0x29: {  	s4 =	sld [smem:$0x3FAE]  }
0x2a: {  	p0 =	seq.s32 s5, $0x0;
	s5 =	sld [smem:$0x3FAF]  }
0x2b: {  	s6 =	sld [smem:$0x3FB0]  }
0x2c: {  	s7 =	sld [smem:$0x3FB1]  }
0x2d: {  	s3 =	simm.s32 $0x108;
	s8 =	sld [smem:$0x3FB2]  }
0x2e: {  	s3 =	simm.s32 @!p0 $0x1082;
	s9 =	sld [smem:$0x3FB3]  }
0x2f: {  	lr =	sadd.s32 s0, s3;
	s0 =	sld [smem:$0x3FAA]  }
0x30: {  	s3 =	sld [smem:$0x3FAD]  }
0x31: {  	[smem:$0x3FB6] =	sst s10  }
0x32: {  	s10 =	sld [smem:$0x3FB4];
	_ =	sdelay $0x3  }
0x33: {  	p0 =	seq.s32 s10, $0x1;
	s10 =	sld [smem:$0x3FB6];
	_ =	sdelay $0x3  }
0x34: {  	[smem:$0x3FB6] =	sst s10  }
0x35: {  	s10 =	sld [smem:$0x3FB5];
	_ =	sdelay $0x3  }
0x36: {  	p1 =	seq.s32 s10, $0x1;
	s10 =	sld [smem:$0x3FB6];
	_ =	sdelay $0x3  }
0x37: {  	[smem:$0x3FB6] =	sst s10  }
0x38: {  	s10 =	sld [smem:$0x3FB7]  }
0x39: {  	_ = 	snop;
	(pc) =	sbr.ind lr, $3  }
0x3a: {  	_ = 	snop  }
0x3b: {  	_ = 	snop  }
0x3c: {  	p2 =	seq.s32 s10, $0x1;
	s10 =	sld [smem:$0x3FB6]  }
0x3d: {  	_ =	shalt  }
0x3e: {  	_ =	shalt  }
0x3f: {  	_ =	shalt  }
0x40: {  	_ =	shalt  }
0x41: {  	_ =	shalt  }
0x42: {  	_ =	shalt  }
0x43: {  	_ =	shalt  }
0x44: {  	_ =	shalt  }
0x45: {  	_ =	shalt  }
0x46: {  	_ =	shalt  }
0x47: {  	_ =	shalt  }
0x48: {  	_ =	shalt  }
0x49: {  	_ =	shalt  }
0x4a: {  	_ =	shalt  }
0x4b: {  	_ =	shalt  }
0x4c: {  	_ =	shalt  }
0x4d: {  	_ =	shalt  }
0x4e: {  	_ =	shalt  }
0x4f: {  	_ =	shalt  }
0x50: {  	_ =	shalt  }
0x51: {  	_ =	shalt  }
0x52: {  	_ =	shalt  }
0x53: {  	_ =	shalt  }
0x54: {  	_ =	shalt  }
0x55: {  	_ =	shalt  }
0x56: {  	_ =	shalt  }
0x57: {  	_ =	shalt  }
0x58: {  	_ =	shalt  }
0x59: {  	_ =	shalt  }
0x5a: {  	_ =	shalt  }
0x5b: {  	_ =	shalt  }
0x5c: {  	_ =	shalt  }
0x5d: {  	_ =	shalt  }
0x5e: {  	_ =	shalt  }
0x5f: {  	_ =	shalt  }
0x60: {  	_ =	shalt  }
0x61: {  	_ =	shalt  }
0x62: {  	_ =	shalt  }
0x63: {  	_ =	shalt  }
0x64: {  	_ =	shalt  }
0x65: {  	_ =	shalt  }
0x66: {  	_ =	shalt  }
0x67: {  	_ =	shalt  }
0x68: {  	_ =	shalt  }
0x69: {  	_ =	shalt  }
0x6a: {  	_ =	shalt  }
0x6b: {  	_ =	shalt  }
0x6c: {  	_ =	shalt  }
0x6d: {  	_ =	shalt  }
0x6e: {  	_ =	shalt  }
0x6f: {  	_ =	shalt  }
0x70: {  	_ =	shalt  }
0x71: {  	_ =	shalt  }
0x72: {  	_ =	shalt  }
0x73: {  	_ =	shalt  }
0x74: {  	_ =	shalt  }
0x75: {  	_ =	shalt  }
0x76: {  	_ =	shalt  }
0x77: {  	_ =	shalt  }
0x78: {  	_ =	shalt  }
0x79: {  	_ =	shalt  }
0x7a: {  	_ =	shalt  }
0x7b: {  	_ =	shalt  }
0x7c: {  	_ =	shalt  }
0x7d: {  	_ =	shalt  }
0x7e: {  	_ =	shalt  }
0x7f: {  	_ =	shalt  }
0x80: {  	_ =	shalt  }
0x81: {  	_ =	shalt  }
0x82: {  	_ =	shalt  }
0x83: {  	_ =	shalt  }
0x84: {  	_ =	shalt  }
0x85: {  	_ =	shalt  }
0x86: {  	_ =	shalt  }
0x87: {  	_ =	shalt  }
.Lfunc_end0:
.L_simem_size_0:
called_computation_lowered:
.L_overlay_start_0:
0x88: {  	s2 =	sld [smem:$0x3FD9]  }
0x89: {  	s3 =	sld [smem:$0x3FFE];
	_ =	sdelay $0x1  }
0x8a: {  	s1 =	srdreg.scid  }
0x8b: {  	s0 =	sand.u32 $0x1, s1  }
0x8c: {  	s17 =	sshll.u32 s0, $0xA;
	s2 =	sadd.s32 s3, s2  }
0x8d: {  	s2 =	sadd.s32 s2, s17  }
0x8e: {  	[smem:$0x3FC2] =	sst s2  }
0x8f: {  	_ = 	snop  }
0x90: {  	s2 =	sld [smem:$0x3FC9]  }
0x91: {  	s18 =	sld [smem:$0x3FC8];
	(tm) =	ssettm $0x1  }
0x92: {  	s4 =	sld [smem:$0x3FFB];
	_ =	sdelay $0x3  }
0x93: {  	_ =	strace s4  }
0x94: {  	s4 =	sld [smem:$0x3FFC];
	_ =	sdelay $0x3  }
0x95: {  	_ =	strace s4  }
0x96: {  	s4 =	sld [smem:$0x3FFD];
	_ =	sdelay $0x3  }
0x97: {  	_ =	strace s4  }
0x98: {  	_ =	strace $0x8FFFFFFF  }
0x99: {  	s19 =	sld [smem:$0x3FDB];
	_ =	sdelay $0x1  }
0x9a: {  	s5 =	simm.s32 $_scs_section_size  }
0x9b: {  	s6 =	simm.s32 $_size__tile_overlayer_lowered;
	s7 =	simm.s32 $_tile_overlayer_lowered  }
0x9c: {  	s22 =	simm.s32 $0x1BFF;
	s21 =	sshll.u32 s7, $0x1;
	s4 =	sadd.s32 s5, s19  }
0x9d: {  	s8 =	simm.s32 $0x0;
	s20 =	sshll.u32 s6, $0x1;
	s6 =	sadd.s32 s21, s4  }
0x9e: {  	[timem:s8], [sflag:s22] =	dma.local [hbm:s6], s20  }
0x9f: {  	_ =	swait.ge [sflag:s22], s20  }
0xa0: {  	s5 =	ssub.s32 $0x0, s20;
	[sflag:s22] =	ssyncset.done $0x0  }
0xa1: {  	[sflag:s22] =	ssyncadd.s32 s5;
	_ =	sdelay $0x1  }
0xa2: {  	s23 =	simm.s32 $0x1B8B  }
0xa3: {  	_ =	swait.ge [sflag:s23], $0x1  }
0xa4: {  	[sflag:s23] =	ssyncset.done $0x0  }
0xa5: {  	s25 =	simm.s32 $0x1B8E;
	s24 =	sld [smem:$0x3FFE];
	[sflag:s23] =	ssyncadd.s32 $0xFFFFFFFF  }
0xa6: {  	s26 =	simm.s32 $execute0_lowered;
	[smem:$0x3FD2] =	sst s25  }
0xa7: {  	s6 =	sshll.u32 s26, $0x1;
	_ =	strace $0x80000046;
	[dreg:$0x1] =	wrdreg $0xFFFFFFFF  }
0xa8: {  	s28 =	simm.s32 $_size_execute0_lowered;
	s4 =	sadd.s32 s4, s6;
	[dreg:$0x0] =	wrdreg $0x0  }
0xa9: {  	s6 =	sshll.u32 s28, $0x1;
	[dreg:$0x2] =	wrdreg s4  }
0xaa: {  	[dreg:$0x3] =	wrdreg s6  }
0xab: {  	[dreg:$0x4] =	wrdreg $0xC0  }
0xac: {  	_ =	task [dreg:s8], $0x5FFFF  }
0xad: {  	[dreg:$0x1] =	wrdreg $0xFFFFFFFF  }
0xae: {  	[dreg:$0x0] =	wrdreg $0x60  }
0xaf: {  	[dreg:$0x2] =	wrdreg s2  }
0xb0: {  	[dreg:$0x3] =	wrdreg s18  }
0xb1: {  	[dreg:$0x4] =	wrdreg s24  }
0xb2: {  	[dreg:$0x5] =	wrdreg $0x9  }
0xb3: {  	_ =	task.clear_ibuf [dreg:s8], $0x6FFFF;
	_ =	strace $0x90000046  }
0xb4: {  	s29 =	simm.s32 $0x9;
	_ =	strace $0x80000048  }
0xb5: {  	_ =	swait.ge [sflag:s29], $0x1  }
0xb6: {  	[sflag:s29] =	ssyncadd.s32 $0xFFFFFFFF  }
0xb7: {  	_ =	strace $0x90000048  }
0xb8: {  	_ =	sfence  }
0xb9: {  	s30 =	sld [smem:$0x0];
	_ =	sdelay $0x2  }
0xba: {  	s31 =	sshll.u32 s1, $0xD;
	s1 =	sshrl.u32 s1, $0x2  }
0xbb: {  	s3 =	sand.u32 $0x4000, s31;
	s1 =	sadd.s32 s1, s30  }
0xbc: {  	s0 =	sor.u32 s3, s0;
	s1 =	sshll.u32 s1, $0x11  }
0xbd: {  	s0 =	sor.u32 s1, s0  }
0xbe: {  	s0 =	sadd.s32 $0x8F2B, s0  }
0xbf: {  	[sflag:s0] =	ssyncadd.remote.s32 $0x1  }
0xc0: {  	_ =	sfence.sel $0xFFFF  }
0xc1: {  	[dreg:$0x0] =	wrdreg $0xFFFFFFFF;
	(pc) =	sbr.abs _section_cstart, $3  }
0xc2: {  	[dreg:$0x1] =	wrdreg $0xFFFFFFFF  }
0xc3: {  	_ =	task.clear_ibuf [dreg:s8], $0x2FFFF;
	_ =	strace $0x9FFFFFFF  }
0xc4: {  	(tm) =	ssettm $0x7FFFFFFF  }
0xc5: {  	_ =	shalt  }
tec
execute0_lowered:
.L_overlay_start_1:
0x0: {  	(tag) =	ssettag $0x1  }
0x1: {  	s5 =	rddreg [dreg:$0x0]  }
0x2: {  	s1 =	srdreg.scid;
	s6 =	rddreg [dreg:$0x1]  }
0x3: {  	s0 =	stileid.u32;
	s4 =	rddreg [dreg:$0x2];
	s2 =	simm.s32 $0x0  }
0x4: {  	s10 =	simm.s32 $0xC80;
	s3 =	sand.u32 $0x1, s1;
	s29 =	sshll.u32 s0, $0x1  }
0x5: {  	s11 =	simm.s32 $0x1900;
	s1 =	rddreg [dreg:$0x3];
	s7 =	sor.u32 s3, s29  }
0x6: {  	s12 =	simm.s32 $0x0;
	[smem:$0x7FF] =	sst s2;
	s9 =	smul.u32 $0xC30, s7  }
0x7: {  	p0 =	sgt.u32 s0, $0x4;
	s3 =	ssub.s32 $0x2, s3;
	s8 =	smul.u32 $0x1080, s7  }
.Ltmp0:
0x8: {  	s31 =	sshrl.u32 s3, $0x1;
	s30 =	sshrl.u32 s9, $0x3;
	(pc) =	sbr.rel .LBB2_1-.Ltmp0, $4  }
0x9: {  	s7 =	smul.u32 $0x188, s7;
	s8 =	sadd.s32 s8, s4;
	s4 =	sadd.s32 $0x14, s30  }
0xa: {  	_ =	strace $0x80000047;
	s9 =	ssub.s32 s3, s31;
	s3 =	sadd.s32 s5, s4  }
0xb: {  	s4 =	sadd.s32 s6, s4;
	s5 =	sadd.s32 s5, s7;
	s6 =	sadd.s32 s6, s7  }
0xc: {  	v0 =	vimm.s32 $0x0;
	v1 =	vimm.s32 $0x1;
	s7 =	sadd.s32 $0x1000, s8;
	s8 =	smax.u32 s9, $0x1;
	s9 =	simm.s32 $0x1  }
.LBB2_9:
0xd: {  	v3 =	vld [tilespmem:s14+$0x0];
	_ =	sdelay $0x4  }
0xe: {  	v2 =	vshll.u32 v2, $0x7;
	v4 =	vand.u32 $0xFFFFFF80, v3  }
0xf: {  	v3 =	vand.u32 $0x7F, v3;
	v2 =	vadd.s32 v4, v2  }
0x10: {  	v2 =	vor.u32 v3, v2;
	_ =	sdelay $0x4  }
0x11: {  	[tilespmem:v2+s11+$0x0] =	vst.idx.add.s32.msk $0xffff, v1  }
.LBB2_10:
0x12: {  	s12 =	sadd.s32 $0x1, s12  }
0x13: {  	p1 =	sne.s32 s12, s8  }
.Ltmp1:
0x14: {  	_ = 	snop;
	(pc) =	sbr.rel @!p1 .LBB2_11-.Ltmp1, $4  }
0x15: {  	[hbm4b:s7+s2] =	stream.linear.scatter [tilespmem:s11], [sflag:$0x1], $0x8080, $0x38;
	[tilespmem:$0x9D00] =	vst v63  }
0x16: {  	_ =	swait.ge [sflag:s9], $0x8080  }
0x17: {  	[sflag:s9] =	ssyncset.done $0x0  }
0x18: {  	[sflag:s9] =	ssyncadd.s32 $0xFFFF7F80  }
.LBB2_1:
0x19: {  	s13 =	simm.s32 $0x200;
	s14 =	simm.s32 $0x0  }
.LBB2_2:
0x1a: {  	p1 =	sne.s32 s13, $0x20000;
	[tilespmem:s14+$0x1900] =	vst v0;
	s15 =	smov.u32 s13;
	s13 =	sadd.s32 $0x200, s13  }
.Ltmp2:
0x1b: {  	[tilespmem:s14+$0x1910] =	vst v0;
	(pc) =	sbr.rel @p1 .LBB2_2-.Ltmp2, $2  }
0x1c: {  	_ =	sdelay $0x2  }
0x1d: {  	s14 =	sshra.s32 s15, $0x2  }
.Ltmp3:
0x1e: {  	(pc) =	sbr.rel @p0 .LBB2_7-.Ltmp3, $3  }
0x1f: {  	_ =	sdelay $0x1  }
0x20: {  	[tilespmem:s14+$0x1900] =	vst v0  }
0x21: {  	[tilespmem:s14+$0x1910] =	vst v0;
	s13 =	simm.s32 $0x0  }
0x22: {  	[tilespmem:s13], [sflag:$0x1] =	stream.linear.gather [hbm4b:s5+s13], $0xC40, $0x38;
	[tilespmem:$0x9D00] =	vst v63  }
0x23: {  	_ =	swait.ge [sflag:s9], $0xC40  }
0x24: {  	[sflag:s9] =	ssyncset.done $0x0  }
0x25: {  	[sflag:s9] =	ssyncadd.s32 $0xFFFFF3C0  }
0x26: {  	[tilespmem:s10], [sflag:$0x1] =	stream.linear.gather [hbm4b:s6+s13], $0xC40, $0x38;
	[tilespmem:$0x9D00] =	vst v63  }
0x27: {  	_ =	swait.ge [sflag:s9], $0xC40  }
0x28: {  	[sflag:s9] =	ssyncset.done $0x0  }
0x29: {  	s14 =	simm.s32 $0x0;
	[sflag:s9] =	ssyncadd.s32 $0xFFFFF3C0  }
0x2a: {  	s13 =	simm.s32 $0x40;
	v2 =	vld [tilespmem:s14+$0xC80]  }
.LBB2_5:
0x2b: {  	p1 =	seq.s32 s13, $0x30C0;
	v3 =	vld [tilespmem:s14+$0x0];
	_ =	sdelay $0x4  }
0x2c: {  	v2 =	vshll.u32 v2, $0x7;
	v4 =	vand.u32 $0xFFFFFF80, v3  }
0x2d: {  	v3 =	vand.u32 $0x7F, v3;
	v2 =	vadd.s32 v4, v2  }
0x2e: {  	v2 =	vor.u32 v3, v2;
	_ =	sdelay $0x1  }
.Ltmp4:
0x2f: {  	(pc) =	sbr.rel @!p1 .LBB2_5-.Ltmp4, $3  }
0x30: {  	_ =	sdelay $0x1  }
0x31: {  	s14 =	sshra.s32 s13, $0x2;
	[tilespmem:v2+s11+$0x0] =	vst.idx.add.s32.msk $0xffff, v1  }
0x32: {  	s13 =	sadd.s32 $0x40, s13;
	v2 =	vld [tilespmem:s14+$0xC80]  }
0x33: {  	v3 =	vld [tilespmem:s14+$0x0];
	_ =	sdelay $0x4  }
0x34: {  	v2 =	vshll.u32 v2, $0x7;
	v4 =	vand.u32 $0xFFFFFF80, v3  }
0x35: {  	v3 =	vand.u32 $0x7F, v3;
	v2 =	vadd.s32 v4, v2  }
0x36: {  	v2 =	vor.u32 v3, v2  }
.Ltmp5:
0x37: {  	_ = 	snop;
	(pc) =	sbr.rel .LBB2_10-.Ltmp5, $2  }
0x38: {  	_ =	sdelay $0x2  }
0x39: {  	[tilespmem:v2+s11+$0x0] =	vst.idx.add.s32.msk $0xffff, v1  }
.LBB2_7:
0x3a: {  	[tilespmem:s13], [sflag:$0x1] =	stream.linear.gather [hbm4b:s3+s13], $0xC30, $0x38;
	[tilespmem:$0x9D00] =	vst v63  }
0x3b: {  	_ =	swait.ge [sflag:s9], $0xC30  }
0x3c: {  	[sflag:s9] =	ssyncset.done $0x0  }
0x3d: {  	[sflag:s9] =	ssyncadd.s32 $0xFFFFF3D0  }
0x3e: {  	[tilespmem:s10], [sflag:$0x1] =	stream.linear.gather [hbm4b:s4+s13], $0xC30, $0x38;
	[tilespmem:$0x9D00] =	vst v63  }
0x3f: {  	_ =	swait.ge [sflag:s9], $0xC30  }
0x40: {  	[sflag:s9] =	ssyncset.done $0x0  }
0x41: {  	s14 =	simm.s32 $0x0;
	[sflag:s9] =	ssyncadd.s32 $0xFFFFF3D0  }
0x42: {  	s13 =	simm.s32 $0x40;
	v2 =	vld [tilespmem:s14+$0xC80]  }
.LBB2_8:
0x43: {  	p1 =	sne.s32 s13, $0x3080;
	v3 =	vld [tilespmem:s14+$0x0];
	_ =	sdelay $0x4  }
0x44: {  	v2 =	vshll.u32 v2, $0x7;
	v4 =	vand.u32 $0xFFFFFF80, v3  }
0x45: {  	v3 =	vand.u32 $0x7F, v3;
	v2 =	vadd.s32 v4, v2  }
0x46: {  	v2 =	vor.u32 v3, v2;
	_ =	sdelay $0x1  }
.Ltmp6:
0x47: {  	(pc) =	sbr.rel @p1 .LBB2_8-.Ltmp6, $3  }
0x48: {  	_ =	sdelay $0x1  }
0x49: {  	s14 =	sshra.s32 s13, $0x2;
	[tilespmem:v2+s11+$0x0] =	vst.idx.add.s32.msk $0xffff, v1  }
0x4a: {  	s13 =	sadd.s32 $0x40, s13;
	v2 =	vld [tilespmem:s14+$0xC80]  }
.Ltmp7:
0x4b: {  	_ = 	snop;
	(pc) =	sbr.rel .LBB2_9-.Ltmp7, $1  }
0x4c: {  	_ =	sdelay $0x3  }
.LBB2_11:
0x4d: {  	_ =	sfence.sel $0x180000  }
0x4e: {  	[bflag:$0x0] =	sbarrier.arrive $0xFFFF  }
0x4f: {  	p0 =	sne.s32 s0, $0x0;
	_ =	strace $0x90000047  }
0x50: {  	s0 =	sadd.s32 @!p0 $0x100000, s1;
	[bflag:$0x2] =	sbarrier.arrive $0xFFFF  }
0x51: {  	[sflag:s0] =	ssyncadd.tile.s32 @!p0 $0x1;
	_ =	shalt  }
.Lfunc_end2:
_tile_overlayer_lowered:
.L_overlay_start_2:
0x52: {  	(tag) =	ssettag $0x2  }
0x53: {  	s0 =	rddreg [dreg:$0x0];
	s2 =	stileid.u32  }
0x54: {  	s1 =	rddreg [dreg:$0x1];
	p0 =	sne.s32 s2, $0x0  }
0x55: {  	s3 =	rddreg [dreg:$0x2];
	[bflag:$0x3] =	sbarrier.arrive $0xFFFF;
	s2 =	simm.s32 @!p0 $0x1C01  }
0x56: {  	[timem:s3], [sflag:s2] =	dma.local @!p0 [hbm:s0], s1  }
0x57: {  	s0 =	simm.s32 @!p0 $0x1  }
0x58: {  	_ =	swait.ge @!p0 [sflag:s0], s1  }
0x59: {  	s1 =	ssub.s32 @!p0 $0x0, s1;
	[sflag:s0] =	ssyncset.done @!p0 $0x0  }
0x5a: {  	[sflag:s0] =	ssyncadd.s32 @!p0 s1  }
0x5b: {  	[bflag:$0x3] =	sbarrier.arrive $0xFFFF  }
0x5c: {  	_ =	shalt  }

</sc_bundles>
